<compile_context>
chip_gen: v7x
topology: tpu7x:2x2x1
jax: 0.10.2.dev20260603
libtpu: 0.0.44.dev20260713+nightly
codegen_flags: <defaults>
</compile_context>

<pallas_src>
import functools

import jax
import jax.numpy as jnp
from jax import lax
from jax.experimental import pallas as pl
from jax.experimental.pallas import tpu as pltpu
from jax.experimental.pallas import tpu_sc as plsc

B, N, F = 16, 10000, 128
NC, NS = 2, 16
NW = NC * NS
WPB = NW // B
NV = F // 16

SC_N = 2400
SC_ROW0 = N - SC_N
ROWS = SC_N // WPB
CHUNK = 200
NCHUNK = ROWS // CHUNK
assert ROWS % CHUNK == 0 and CHUNK % 8 == 0 and SC_ROW0 % 8 == 0

_mesh = plsc.VectorSubcoreMesh(core_axis_name="c", subcore_axis_name="s")


@functools.partial(
    pl.kernel,
    out_type=jax.ShapeDtypeStruct((WPB * B * F,), jnp.float32),
    mesh=_mesh,
    scratch_types=[
        pltpu.VMEM((2, CHUNK, F), jnp.float32),
        pltpu.VMEM((F,), jnp.float32),
        pltpu.SemaphoreType.DMA,
        pltpu.SemaphoreType.DMA,
    ],
)
def _sc_pool(x_hbm, out_hbm, buf, accv, sem0, sem1):
    c = lax.axis_index("c")
    s = lax.axis_index("s")
    wid = c * NS + s
    b = wid // WPB
    h = wid % WPB
    row0 = SC_ROW0 + h * ROWS
    sems = (sem0, sem1)

    def start(i, slot):
        pltpu.make_async_copy(
            x_hbm.at[b, pl.ds(row0 + i * CHUNK, CHUNK), :],
            buf.at[slot], sems[slot]).start()

    def wait(slot):
        pltpu.make_async_copy(
            x_hbm.at[b, pl.ds(0, CHUNK), :],
            buf.at[slot], sems[slot]).wait()

    def consume(slot, acc):
        @plsc.parallel_loop(0, CHUNK, carry=acc, unroll=4)
        def row_body(r, a):
            a = list(a)
            for j in range(NV):
                a[j] = jnp.maximum(a[j], buf[slot, r, pl.ds(j * 16, 16)])
            return tuple(a)

        return row_body

    start(0, 0)
    start(1, 1)

    acc0 = tuple(jnp.full((16,), -jnp.inf, jnp.float32) for _ in range(NV))

    def pair_body(g, acc):
        for slot in range(2):
            i = 2 * g + slot
            wait(slot)
            acc = consume(slot, acc)
            nxt = i + 2

            @pl.when(nxt < NCHUNK)
            def _():
                start(nxt, slot)
        return acc

    acc = lax.fori_loop(0, NCHUNK // 2, pair_body, acc0)
    if NCHUNK % 2:
        wait(0)
        acc = consume(0, acc)

    for j in range(NV):
        accv[pl.ds(j * 16, 16)] = acc[j]
    pltpu.sync_copy(accv, out_hbm.at[pl.ds((h * B + b) * F, F)])


TC_BB = 2


def _tc_body(x_ref, o_ref):
    o_ref[...] = jnp.max(x_ref[...], axis=1, keepdims=True)


def _tc_pool(x, nrows):
    return pl.pallas_call(
        _tc_body,
        grid=(B // TC_BB,),
        in_specs=[pl.BlockSpec((TC_BB, nrows, F), lambda b: (b, 0, 0))],
        out_specs=pl.BlockSpec((TC_BB, 1, F), lambda b: (b, 0, 0)),
        out_shape=jax.ShapeDtypeStruct((B, 1, F), jnp.float32),
    )(x)


def kernel(x):
    tc = _tc_pool(x, N - SC_N).reshape(B, F)
    sc = _sc_pool(x).reshape(WPB, B, F)
    return jnp.maximum(tc, jnp.maximum(sc[0], sc[1]))

# --- scband reference (transcript-rebuilt; emitter-appended) ---
"""Pipeline reference for scband-gcnpool-4629974745234 (READ-ONLY COPY).

The authoritative reference and input builder live on the scoring server;
editing this copy changes nothing except your own understanding.
"""

import jax, jax.numpy as jnp
import numpy as np

BATCH = 16
IN_SIZE = 10000
F_PRIME = 128


def setup_inputs(seed: int = 0) -> dict:
    key = jax.random.key(seed)
    x = jax.random.normal(key, (BATCH, IN_SIZE, F_PRIME), dtype=jnp.float32)
    return {"x": x}


def reference(x):
    # GCNPool forward: reshape [B, N, F] -> [B*N, F], then segment_max by graph id.
    B, N, F = x.shape
    segment_ids = jnp.repeat(jnp.arange(B, dtype=jnp.int32), N)
    flat = x.reshape(-1, F)
    out = jax.ops.segment_max(flat, segment_ids, num_segments=B)
    return out

if __name__ == "__main__":
    import jax
    _d = setup_inputs()
    print(jax.jit(kernel)(*tuple(_d.values())))

</pallas_src>

<mosaic_0001>
#map = affine_map<(d0, d1) -> (0, 0, 0)>
#map1 = affine_map<(d0, d1) -> (0)>
module attributes {stable_mosaic.version = 14 : i64} {
  func.func @_sc_pool(%arg0: i32, %arg1: i32, %arg2: memref<16x10000x128xf32, #tpu.memory_space<hbm>>, %arg3: memref<4096xf32, #tpu.memory_space<hbm>>, %arg4: memref<2x200x128xf32, #tpu.memory_space<vmem>>, %arg5: memref<128xf32, #tpu.memory_space<vmem>>, %arg6: memref<!tpu.dma_semaphore, #tpu.memory_space<semaphore_mem>>, %arg7: memref<!tpu.dma_semaphore, #tpu.memory_space<semaphore_mem>>) attributes {dimension_semantics = [#tpu.dimension_semantics<core_parallel>, #tpu.dimension_semantics<subcore_parallel>], iteration_bounds = array<i64: 2, 16>, scalar_prefetch = 0 : i64, scratch_operands = 4 : i64, tpu.core_type = #tpu.core_type<sc_vector_subcore>, window_params = [{transform_indices = #map}, {transform_indices = #map1}]} {
    %mul3A = arith.constant 16 : i32
    %mul3A_0 = arith.muli %arg0, %mul3A : i32
    %add3A = arith.addi %mul3A_0, %arg1 : i32
    %jit3A = arith.constant 2 : i32
    %div3A = arith.divsi %add3A, %jit3A : i32
    %sign3A = arith.constant 0 : i32
    %sign3A_1 = arith.cmpi sgt, %add3A, %sign3A : i32
    %sign3A_2 = arith.extui %sign3A_1 : i1 to i32
    %sign3A_3 = arith.constant 0 : i32
    %sign3A_4 = arith.cmpi slt, %add3A, %sign3A_3 : i32
    %sign3A_5 = arith.extui %sign3A_4 : i1 to i32
    %sign3A_6 = arith.subi %sign3A_2, %sign3A_5 : i32
    %sign3A_7 = arith.constant 0 : i32
    %sign3A_8 = arith.cmpi sgt, %jit3A, %sign3A_7 : i32
    %sign3A_9 = arith.extui %sign3A_8 : i1 to i32
    %sign3A_10 = arith.constant 0 : i32
    %sign3A_11 = arith.cmpi slt, %jit3A, %sign3A_10 : i32
    %sign3A_12 = arith.extui %sign3A_11 : i1 to i32
    %sign3A_13 = arith.subi %sign3A_9, %sign3A_12 : i32
    %ne3A = arith.cmpi ne, %sign3A_6, %sign3A_13 : i32
    %rem3A = arith.remsi %add3A, %jit3A : i32
    %ne3A_14 = arith.constant 0 : i32
    %ne3A_15 = arith.cmpi ne, %rem3A, %ne3A_14 : i32
    %and3A = arith.andi %ne3A, %ne3A_15 : i1
    %sub3A = arith.constant 1 : i32
    %sub3A_16 = arith.subi %div3A, %sub3A : i32
    %select_n3A = arith.select %and3A, %sub3A_16, %div3A : i32
    %jit3A_17 = arith.constant 2 : i32
    %eq3A = arith.constant 0 : i32
    %eq3A_18 = arith.cmpi eq, %jit3A_17, %eq3A : i32
    %jit3A_19 = arith.constant 1 : i32
    %select_n3A_20 = arith.select %eq3A_18, %jit3A_19, %jit3A_17 : i32
    %rem3A_21 = arith.remsi %add3A, %select_n3A_20 : i32
    %ne3A_22 = arith.constant 0 : i32
    %ne3A_23 = arith.cmpi ne, %rem3A_21, %ne3A_22 : i32
    %lt3A = arith.constant 0 : i32
    %lt3A_24 = arith.cmpi slt, %rem3A_21, %lt3A : i32
    %lt3A_25 = arith.constant 0 : i32
    %lt3A_26 = arith.cmpi slt, %select_n3A_20, %lt3A_25 : i32
    %ne3A_27 = arith.xori %lt3A_24, %lt3A_26 : i1
    %and3A_28 = arith.andi %ne3A_27, %ne3A_23 : i1
    %add3A_29 = arith.addi %rem3A_21, %select_n3A_20 : i32
    %select_n3A_30 = arith.select %and3A_28, %add3A_29, %rem3A_21 : i32
    %mul3A_31 = arith.constant 1200 : i32
    %mul3A_32 = arith.muli %select_n3A_30, %mul3A_31 : i32
    %add3A_33 = arith.constant 7600 : i32
    %add3A_34 = arith.addi %add3A_33, %mul3A_32 : i32
    %add3A_35 = arith.constant 0 : i32
    %add3A_36 = arith.addi %add3A_34, %add3A_35 : i32
    %dma_start3A = arith.constant 0 : i32
    %dma_start3A_37 = arith.constant 0 : i32
    %dma_start3A_38 = arith.constant 0 : i32
    %dma_start3A_39 = tpu.memref_slice %arg4[%dma_start3A, %dma_start3A_37, %dma_start3A_38] : memref<2x200x128xf32, #tpu.memory_space<vmem>> -> memref<1x200x128xf32, #tpu.memory_space<vmem>>
    %dma_start3A_40 = tpu.memref_squeeze %dma_start3A_39 : memref<1x200x128xf32, #tpu.memory_space<vmem>> -> memref<200x128xf32, #tpu.memory_space<vmem>>
    %dma_start3A_41 = arith.constant 0 : i32
    %dma_start3A_42 = tpu.memref_slice %arg2[%select_n3A, %add3A_36, %dma_start3A_41] : memref<16x10000x128xf32, #tpu.memory_space<hbm>> -> memref<1x200x128xf32, #tpu.memory_space<hbm>>
    %dma_start3A_43 = tpu.memref_squeeze %dma_start3A_42 : memref<1x200x128xf32, #tpu.memory_space<hbm>> -> memref<200x128xf32, #tpu.memory_space<hbm>>
    %dma_start3A_44 = arith.constant 0 : i32
    %dma_start3A_45 = arith.constant 0 : i32
    %dma_start3A_46 = tpu.memref_slice %arg4[%dma_start3A, %dma_start3A_44, %dma_start3A_45] : memref<2x200x128xf32, #tpu.memory_space<vmem>> -> memref<1x200x128xf32, #tpu.memory_space<vmem>>
    %dma_start3A_47 = tpu.memref_squeeze %dma_start3A_46 : memref<1x200x128xf32, #tpu.memory_space<vmem>> -> memref<200x128xf32, #tpu.memory_space<vmem>>
    %dma_start3A_48 = arith.constant 0 : i32
    %dma_start3A_49 = tpu.memref_slice %arg2[%select_n3A, %add3A_36, %dma_start3A_48] : memref<16x10000x128xf32, #tpu.memory_space<hbm>> -> memref<1x200x128xf32, #tpu.memory_space<hbm>>
    %dma_start3A_50 = tpu.memref_squeeze %dma_start3A_49 : memref<1x200x128xf32, #tpu.memory_space<hbm>> -> memref<200x128xf32, #tpu.memory_space<hbm>>
    tpu.enqueue_dma source(%dma_start3A_50 : memref<200x128xf32, #tpu.memory_space<hbm>>) target(%dma_start3A_47 : memref<200x128xf32, #tpu.memory_space<vmem>>) target_semaphore(%arg6 : memref<!tpu.dma_semaphore, #tpu.memory_space<semaphore_mem>>)
    %add3A_51 = arith.constant 200 : i32
    %add3A_52 = arith.addi %add3A_34, %add3A_51 : i32
    %dma_start3A_53 = arith.constant 1 : i32
    %dma_start3A_54 = arith.constant 0 : i32
    %dma_start3A_55 = arith.constant 0 : i32
    %dma_start3A_56 = tpu.memref_slice %arg4[%dma_start3A_53, %dma_start3A_54, %dma_start3A_55] : memref<2x200x128xf32, #tpu.memory_space<vmem>> -> memref<1x200x128xf32, #tpu.memory_space<vmem>>
    %dma_start3A_57 = tpu.memref_squeeze %dma_start3A_56 : memref<1x200x128xf32, #tpu.memory_space<vmem>> -> memref<200x128xf32, #tpu.memory_space<vmem>>
    %dma_start3A_58 = arith.constant 0 : i32
    %dma_start3A_59 = tpu.memref_slice %arg2[%select_n3A, %add3A_52, %dma_start3A_58] : memref<16x10000x128xf32, #tpu.memory_space<hbm>> -> memref<1x200x128xf32, #tpu.memory_space<hbm>>
    %dma_start3A_60 = tpu.memref_squeeze %dma_start3A_59 : memref<1x200x128xf32, #tpu.memory_space<hbm>> -> memref<200x128xf32, #tpu.memory_space<hbm>>
    %dma_start3A_61 = arith.constant 0 : i32
    %dma_start3A_62 = arith.constant 0 : i32
    %dma_start3A_63 = tpu.memref_slice %arg4[%dma_start3A_53, %dma_start3A_61, %dma_start3A_62] : memref<2x200x128xf32, #tpu.memory_space<vmem>> -> memref<1x200x128xf32, #tpu.memory_space<vmem>>
    %dma_start3A_64 = tpu.memref_squeeze %dma_start3A_63 : memref<1x200x128xf32, #tpu.memory_space<vmem>> -> memref<200x128xf32, #tpu.memory_space<vmem>>
    %dma_start3A_65 = arith.constant 0 : i32
    %dma_start3A_66 = tpu.memref_slice %arg2[%select_n3A, %add3A_52, %dma_start3A_65] : memref<16x10000x128xf32, #tpu.memory_space<hbm>> -> memref<1x200x128xf32, #tpu.memory_space<hbm>>
    %dma_start3A_67 = tpu.memref_squeeze %dma_start3A_66 : memref<1x200x128xf32, #tpu.memory_space<hbm>> -> memref<200x128xf32, #tpu.memory_space<hbm>>
    tpu.enqueue_dma source(%dma_start3A_67 : memref<200x128xf32, #tpu.memory_space<hbm>>) target(%dma_start3A_64 : memref<200x128xf32, #tpu.memory_space<vmem>>) target_semaphore(%arg7 : memref<!tpu.dma_semaphore, #tpu.memory_space<semaphore_mem>>)
    %broadcast_in_dim3A = arith.constant 0xFF800000 : f32
    %broadcast_in_dim3A_68 = vector.broadcast %broadcast_in_dim3A : f32 to vector<16xf32>
    %broadcast_in_dim3A_69 = arith.constant 0xFF800000 : f32
    %broadcast_in_dim3A_70 = vector.broadcast %broadcast_in_dim3A_69 : f32 to vector<16xf32>
    %broadcast_in_dim3A_71 = arith.constant 0xFF800000 : f32
    %broadcast_in_dim3A_72 = vector.broadcast %broadcast_in_dim3A_71 : f32 to vector<16xf32>
    %broadcast_in_dim3A_73 = arith.constant 0xFF800000 : f32
    %broadcast_in_dim3A_74 = vector.broadcast %broadcast_in_dim3A_73 : f32 to vector<16xf32>
    %broadcast_in_dim3A_75 = arith.constant 0xFF800000 : f32
    %broadcast_in_dim3A_76 = vector.broadcast %broadcast_in_dim3A_75 : f32 to vector<16xf32>
    %broadcast_in_dim3A_77 = arith.constant 0xFF800000 : f32
    %broadcast_in_dim3A_78 = vector.broadcast %broadcast_in_dim3A_77 : f32 to vector<16xf32>
    %broadcast_in_dim3A_79 = arith.constant 0xFF800000 : f32
    %broadcast_in_dim3A_80 = vector.broadcast %broadcast_in_dim3A_79 : f32 to vector<16xf32>
    %broadcast_in_dim3A_81 = arith.constant 0xFF800000 : f32
    %broadcast_in_dim3A_82 = vector.broadcast %broadcast_in_dim3A_81 : f32 to vector<16xf32>
    %scan3A = arith.constant 0 : i32
    %scan3A_83 = arith.constant 3 : i32
    %scan3A_84 = arith.addi %scan3A, %scan3A_83 : i32
    %scan3A_85 = arith.constant 1 : i32
    %scan3A_86:8 = scf.for %scan3A_124 = %scan3A to %scan3A_84 step %scan3A_85 iter_args(%scan3A_125 = %broadcast_in_dim3A_68, %scan3A_126 = %broadcast_in_dim3A_70, %scan3A_127 = %broadcast_in_dim3A_72, %scan3A_128 = %broadcast_in_dim3A_74, %scan3A_129 = %broadcast_in_dim3A_76, %scan3A_130 = %broadcast_in_dim3A_78, %scan3A_131 = %broadcast_in_dim3A_80, %scan3A_132 = %broadcast_in_dim3A_82) -> (vector<16xf32>, vector<16xf32>, vector<16xf32>, vector<16xf32>, vector<16xf32>, vector<16xf32>, vector<16xf32>, vector<16xf32>)  : i32 {
      %mul3A_133 = arith.constant 2 : i32
      %mul3A_134 = arith.muli %mul3A_133, %scan3A_124 : i32
      %add3A_135 = arith.constant 0 : i32
      %add3A_136 = arith.addi %mul3A_134, %add3A_135 : i32
      %dma_wait3A = arith.constant 0 : i32
      %dma_wait3A_137 = arith.constant 0 : i32
      %dma_wait3A_138 = arith.constant 0 : i32
      %dma_wait3A_139 = tpu.memref_slice %arg4[%dma_wait3A, %dma_wait3A_137, %dma_wait3A_138] : memref<2x200x128xf32, #tpu.memory_space<vmem>> -> memref<1x200x128xf32, #tpu.memory_space<vmem>>
      %dma_wait3A_140 = tpu.memref_squeeze %dma_wait3A_139 : memref<1x200x128xf32, #tpu.memory_space<vmem>> -> memref<200x128xf32, #tpu.memory_space<vmem>>
      %dma_wait3A_141 = arith.constant 0 : i32
      %dma_wait3A_142 = arith.constant 0 : i32
      %dma_wait3A_143 = tpu.memref_slice %arg2[%select_n3A, %dma_wait3A_141, %dma_wait3A_142] : memref<16x10000x128xf32, #tpu.memory_space<hbm>> -> memref<1x200x128xf32, #tpu.memory_space<hbm>>
      %dma_wait3A_144 = tpu.memref_squeeze %dma_wait3A_143 : memref<1x200x128xf32, #tpu.memory_space<hbm>> -> memref<200x128xf32, #tpu.memory_space<hbm>>
      %dma_wait3A_145 = arith.constant 0 : i32
      %dma_wait3A_146 = arith.constant 0 : i32
      %dma_wait3A_147 = tpu.memref_slice %arg4[%dma_wait3A, %dma_wait3A_145, %dma_wait3A_146] : memref<2x200x128xf32, #tpu.memory_space<vmem>> -> memref<1x200x128xf32, #tpu.memory_space<vmem>>
      %dma_wait3A_148 = tpu.memref_squeeze %dma_wait3A_147 : memref<1x200x128xf32, #tpu.memory_space<vmem>> -> memref<200x128xf32, #tpu.memory_space<vmem>>
      %dma_wait3A_149 = arith.constant 0 : i32
      %dma_wait3A_150 = arith.constant 0 : i32
      %dma_wait3A_151 = tpu.memref_slice %arg2[%select_n3A, %dma_wait3A_149, %dma_wait3A_150] : memref<16x10000x128xf32, #tpu.memory_space<hbm>> -> memref<1x200x128xf32, #tpu.memory_space<hbm>>
      %dma_wait3A_152 = tpu.memref_squeeze %dma_wait3A_151 : memref<1x200x128xf32, #tpu.memory_space<hbm>> -> memref<200x128xf32, #tpu.memory_space<hbm>>
      tpu.wait_dma2 semaphore(%arg6 : memref<!tpu.dma_semaphore, #tpu.memory_space<semaphore_mem>>) src(%dma_wait3A_152 : memref<200x128xf32, #tpu.memory_space<hbm>>) dst(%dma_wait3A_148 : memref<200x128xf32, #tpu.memory_space<vmem>>)
      %parallel_loop3A = arith.constant 0 : i32
      %parallel_loop3A_153 = arith.constant 200 : i32
      %parallel_loop3A_154 = arith.constant 1 : i32
      %parallel_loop3A_155:8 = scf.for %parallel_loop3A_193 = %parallel_loop3A to %parallel_loop3A_153 step %parallel_loop3A_154 iter_args(%parallel_loop3A_194 = %scan3A_125, %parallel_loop3A_195 = %scan3A_126, %parallel_loop3A_196 = %scan3A_127, %parallel_loop3A_197 = %scan3A_128, %parallel_loop3A_198 = %scan3A_129, %parallel_loop3A_199 = %scan3A_130, %parallel_loop3A_200 = %scan3A_131, %parallel_loop3A_201 = %scan3A_132) -> (vector<16xf32>, vector<16xf32>, vector<16xf32>, vector<16xf32>, vector<16xf32>, vector<16xf32>, vector<16xf32>, vector<16xf32>)  : i32 {
        %parallel_loop3A_202 = arith.constant 0 : i32
        %parallel_loop3A_203 = arith.index_cast %parallel_loop3A_202 : i32 to index
        %parallel_loop3A_204 = arith.index_cast %parallel_loop3A_193 : i32 to index
        %parallel_loop3A_205 = arith.constant 0 : index
        %parallel_loop3A_206 = tpu.vector_load %arg4[%parallel_loop3A_203, %parallel_loop3A_204, %parallel_loop3A_205] {strides = array<i32>} : memref<2x200x128xf32, #tpu.memory_space<vmem>>, vector<1x1x16xf32>,
        %parallel_loop3A_207 = vector.shape_cast %parallel_loop3A_206 : vector<1x1x16xf32> to vector<16xf32>
        %parallel_loop3A_208 = arith.maximumf %parallel_loop3A_194, %parallel_loop3A_207 : vector<16xf32>
        %parallel_loop3A_209 = arith.constant 0 : i32
        %parallel_loop3A_210 = arith.index_cast %parallel_loop3A_209 : i32 to index
        %parallel_loop3A_211 = arith.index_cast %parallel_loop3A_193 : i32 to index
        %parallel_loop3A_212 = arith.constant 16 : index
        %parallel_loop3A_213 = tpu.vector_load %arg4[%parallel_loop3A_210, %parallel_loop3A_211, %parallel_loop3A_212] {strides = array<i32>} : memref<2x200x128xf32, #tpu.memory_space<vmem>>, vector<1x1x16xf32>,
        %parallel_loop3A_214 = vector.shape_cast %parallel_loop3A_213 : vector<1x1x16xf32> to vector<16xf32>
        %parallel_loop3A_215 = arith.maximumf %parallel_loop3A_195, %parallel_loop3A_214 : vector<16xf32>
        %parallel_loop3A_216 = arith.constant 0 : i32
        %parallel_loop3A_217 = arith.index_cast %parallel_loop3A_216 : i32 to index
        %parallel_loop3A_218 = arith.index_cast %parallel_loop3A_193 : i32 to index
        %parallel_loop3A_219 = arith.constant 32 : index
        %parallel_loop3A_220 = tpu.vector_load %arg4[%parallel_loop3A_217, %parallel_loop3A_218, %parallel_loop3A_219] {strides = array<i32>} : memref<2x200x128xf32, #tpu.memory_space<vmem>>, vector<1x1x16xf32>,
        %parallel_loop3A_221 = vector.shape_cast %parallel_loop3A_220 : vector<1x1x16xf32> to vector<16xf32>
        %parallel_loop3A_222 = arith.maximumf %parallel_loop3A_196, %parallel_loop3A_221 : vector<16xf32>
        %parallel_loop3A_223 = arith.constant 0 : i32
        %parallel_loop3A_224 = arith.index_cast %parallel_loop3A_223 : i32 to index
        %parallel_loop3A_225 = arith.index_cast %parallel_loop3A_193 : i32 to index
        %parallel_loop3A_226 = arith.constant 48 : index
        %parallel_loop3A_227 = tpu.vector_load %arg4[%parallel_loop3A_224, %parallel_loop3A_225, %parallel_loop3A_226] {strides = array<i32>} : memref<2x200x128xf32, #tpu.memory_space<vmem>>, vector<1x1x16xf32>,
        %parallel_loop3A_228 = vector.shape_cast %parallel_loop3A_227 : vector<1x1x16xf32> to vector<16xf32>
        %parallel_loop3A_229 = arith.maximumf %parallel_loop3A_197, %parallel_loop3A_228 : vector<16xf32>
        %parallel_loop3A_230 = arith.constant 0 : i32
        %parallel_loop3A_231 = arith.index_cast %parallel_loop3A_230 : i32 to index
        %parallel_loop3A_232 = arith.index_cast %parallel_loop3A_193 : i32 to index
        %parallel_loop3A_233 = arith.constant 64 : index
        %parallel_loop3A_234 = tpu.vector_load %arg4[%parallel_loop3A_231, %parallel_loop3A_232, %parallel_loop3A_233] {strides = array<i32>} : memref<2x200x128xf32, #tpu.memory_space<vmem>>, vector<1x1x16xf32>,
        %parallel_loop3A_235 = vector.shape_cast %parallel_loop3A_234 : vector<1x1x16xf32> to vector<16xf32>
        %parallel_loop3A_236 = arith.maximumf %parallel_loop3A_198, %parallel_loop3A_235 : vector<16xf32>
        %parallel_loop3A_237 = arith.constant 0 : i32
        %parallel_loop3A_238 = arith.index_cast %parallel_loop3A_237 : i32 to index
        %parallel_loop3A_239 = arith.index_cast %parallel_loop3A_193 : i32 to index
        %parallel_loop3A_240 = arith.constant 80 : index
        %parallel_loop3A_241 = tpu.vector_load %arg4[%parallel_loop3A_238, %parallel_loop3A_239, %parallel_loop3A_240] {strides = array<i32>} : memref<2x200x128xf32, #tpu.memory_space<vmem>>, vector<1x1x16xf32>,
        %parallel_loop3A_242 = vector.shape_cast %parallel_loop3A_241 : vector<1x1x16xf32> to vector<16xf32>
        %parallel_loop3A_243 = arith.maximumf %parallel_loop3A_199, %parallel_loop3A_242 : vector<16xf32>
        %parallel_loop3A_244 = arith.constant 0 : i32
        %parallel_loop3A_245 = arith.index_cast %parallel_loop3A_244 : i32 to index
        %parallel_loop3A_246 = arith.index_cast %parallel_loop3A_193 : i32 to index
        %parallel_loop3A_247 = arith.constant 96 : index
        %parallel_loop3A_248 = tpu.vector_load %arg4[%parallel_loop3A_245, %parallel_loop3A_246, %parallel_loop3A_247] {strides = array<i32>} : memref<2x200x128xf32, #tpu.memory_space<vmem>>, vector<1x1x16xf32>,
        %parallel_loop3A_249 = vector.shape_cast %parallel_loop3A_248 : vector<1x1x16xf32> to vector<16xf32>
        %parallel_loop3A_250 = arith.maximumf %parallel_loop3A_200, %parallel_loop3A_249 : vector<16xf32>
        %parallel_loop3A_251 = arith.constant 0 : i32
        %parallel_loop3A_252 = arith.index_cast %parallel_loop3A_251 : i32 to index
        %parallel_loop3A_253 = arith.index_cast %parallel_loop3A_193 : i32 to index
        %parallel_loop3A_254 = arith.constant 112 : index
        %parallel_loop3A_255 = tpu.vector_load %arg4[%parallel_loop3A_252, %parallel_loop3A_253, %parallel_loop3A_254] {strides = array<i32>} : memref<2x200x128xf32, #tpu.memory_space<vmem>>, vector<1x1x16xf32>,
        %parallel_loop3A_256 = vector.shape_cast %parallel_loop3A_255 : vector<1x1x16xf32> to vector<16xf32>
        %parallel_loop3A_257 = arith.maximumf %parallel_loop3A_201, %parallel_loop3A_256 : vector<16xf32>
        scf.yield %parallel_loop3A_208, %parallel_loop3A_215, %parallel_loop3A_222, %parallel_loop3A_229, %parallel_loop3A_236, %parallel_loop3A_243, %parallel_loop3A_250, %parallel_loop3A_257 : vector<16xf32>, vector<16xf32>, vector<16xf32>, vector<16xf32>, vector<16xf32>, vector<16xf32>, vector<16xf32>, vector<16xf32>
      } {sc.loop_unroll_factor = 4 : i64, sc.parallel_access}
      %add3A_156 = arith.constant 2 : i32
      %add3A_157 = arith.addi %add3A_136, %add3A_156 : i32
      %lt3A_158 = arith.constant 6 : i32
      %lt3A_159 = arith.cmpi slt, %add3A_157, %lt3A_158 : i32
      %convert_element_type3A = arith.extui %lt3A_159 : i1 to i32
      %cond3A = arith.constant 0 : i32
      %cond3A_160 = arith.cmpi ne, %convert_element_type3A, %cond3A : i32
      scf.if %cond3A_160 {
        %mul3A_193 = arith.constant 200 : i32
        %mul3A_194 = arith.muli %add3A_157, %mul3A_193 : i32
        %add3A_195 = arith.addi %add3A_34, %mul3A_194 : i32
        %dma_start3A_196 = arith.constant 0 : i32
        %dma_start3A_197 = arith.constant 0 : i32
        %dma_start3A_198 = arith.constant 0 : i32
        %dma_start3A_199 = tpu.memref_slice %arg4[%dma_start3A_196, %dma_start3A_197, %dma_start3A_198] : memref<2x200x128xf32, #tpu.memory_space<vmem>> -> memref<1x200x128xf32, #tpu.memory_space<vmem>>
        %dma_start3A_200 = tpu.memref_squeeze %dma_start3A_199 : memref<1x200x128xf32, #tpu.memory_space<vmem>> -> memref<200x128xf32, #tpu.memory_space<vmem>>
        %dma_start3A_201 = arith.constant 0 : i32
        %dma_start3A_202 = tpu.memref_slice %arg2[%select_n3A, %add3A_195, %dma_start3A_201] : memref<16x10000x128xf32, #tpu.memory_space<hbm>> -> memref<1x200x128xf32, #tpu.memory_space<hbm>>
        %dma_start3A_203 = tpu.memref_squeeze %dma_start3A_202 : memref<1x200x128xf32, #tpu.memory_space<hbm>> -> memref<200x128xf32, #tpu.memory_space<hbm>>
        %dma_start3A_204 = arith.constant 0 : i32
        %dma_start3A_205 = arith.constant 0 : i32
        %dma_start3A_206 = tpu.memref_slice %arg4[%dma_start3A_196, %dma_start3A_204, %dma_start3A_205] : memref<2x200x128xf32, #tpu.memory_space<vmem>> -> memref<1x200x128xf32, #tpu.memory_space<vmem>>
        %dma_start3A_207 = tpu.memref_squeeze %dma_start3A_206 : memref<1x200x128xf32, #tpu.memory_space<vmem>> -> memref<200x128xf32, #tpu.memory_space<vmem>>
        %dma_start3A_208 = arith.constant 0 : i32
        %dma_start3A_209 = tpu.memref_slice %arg2[%select_n3A, %add3A_195, %dma_start3A_208] : memref<16x10000x128xf32, #tpu.memory_space<hbm>> -> memref<1x200x128xf32, #tpu.memory_space<hbm>>
        %dma_start3A_210 = tpu.memref_squeeze %dma_start3A_209 : memref<1x200x128xf32, #tpu.memory_space<hbm>> -> memref<200x128xf32, #tpu.memory_space<hbm>>
        tpu.enqueue_dma source(%dma_start3A_210 : memref<200x128xf32, #tpu.memory_space<hbm>>) target(%dma_start3A_207 : memref<200x128xf32, #tpu.memory_space<vmem>>) target_semaphore(%arg6 : memref<!tpu.dma_semaphore, #tpu.memory_space<semaphore_mem>>)
      } else {
      }
      %mul3A_161 = arith.constant 2 : i32
      %mul3A_162 = arith.muli %mul3A_161, %scan3A_124 : i32
      %add3A_163 = arith.constant 1 : i32
      %add3A_164 = arith.addi %mul3A_162, %add3A_163 : i32
      %dma_wait3A_165 = arith.constant 1 : i32
      %dma_wait3A_166 = arith.constant 0 : i32
      %dma_wait3A_167 = arith.constant 0 : i32
      %dma_wait3A_168 = tpu.memref_slice %arg4[%dma_wait3A_165, %dma_wait3A_166, %dma_wait3A_167] : memref<2x200x128xf32, #tpu.memory_space<vmem>> -> memref<1x200x128xf32, #tpu.memory_space<vmem>>
      %dma_wait3A_169 = tpu.memref_squeeze %dma_wait3A_168 : memref<1x200x128xf32, #tpu.memory_space<vmem>> -> memref<200x128xf32, #tpu.memory_space<vmem>>
      %dma_wait3A_170 = arith.constant 0 : i32
      %dma_wait3A_171 = arith.constant 0 : i32
      %dma_wait3A_172 = tpu.memref_slice %arg2[%select_n3A, %dma_wait3A_170, %dma_wait3A_171] : memref<16x10000x128xf32, #tpu.memory_space<hbm>> -> memref<1x200x128xf32, #tpu.memory_space<hbm>>
      %dma_wait3A_173 = tpu.memref_squeeze %dma_wait3A_172 : memref<1x200x128xf32, #tpu.memory_space<hbm>> -> memref<200x128xf32, #tpu.memory_space<hbm>>
      %dma_wait3A_174 = arith.constant 0 : i32
      %dma_wait3A_175 = arith.constant 0 : i32
      %dma_wait3A_176 = tpu.memref_slice %arg4[%dma_wait3A_165, %dma_wait3A_174, %dma_wait3A_175] : memref<2x200x128xf32, #tpu.memory_space<vmem>> -> memref<1x200x128xf32, #tpu.memory_space<vmem>>
      %dma_wait3A_177 = tpu.memref_squeeze %dma_wait3A_176 : memref<1x200x128xf32, #tpu.memory_space<vmem>> -> memref<200x128xf32, #tpu.memory_space<vmem>>
      %dma_wait3A_178 = arith.constant 0 : i32
      %dma_wait3A_179 = arith.constant 0 : i32
      %dma_wait3A_180 = tpu.memref_slice %arg2[%select_n3A, %dma_wait3A_178, %dma_wait3A_179] : memref<16x10000x128xf32, #tpu.memory_space<hbm>> -> memref<1x200x128xf32, #tpu.memory_space<hbm>>
      %dma_wait3A_181 = tpu.memref_squeeze %dma_wait3A_180 : memref<1x200x128xf32, #tpu.memory_space<hbm>> -> memref<200x128xf32, #tpu.memory_space<hbm>>
      tpu.wait_dma2 semaphore(%arg7 : memref<!tpu.dma_semaphore, #tpu.memory_space<semaphore_mem>>) src(%dma_wait3A_181 : memref<200x128xf32, #tpu.memory_space<hbm>>) dst(%dma_wait3A_177 : memref<200x128xf32, #tpu.memory_space<vmem>>)
      %parallel_loop3A_182 = arith.constant 0 : i32
      %parallel_loop3A_183 = arith.constant 200 : i32
      %parallel_loop3A_184 = arith.constant 1 : i32
      %parallel_loop3A_185:8 = scf.for %parallel_loop3A_193 = %parallel_loop3A_182 to %parallel_loop3A_183 step %parallel_loop3A_184 iter_args(%parallel_loop3A_194 = %parallel_loop3A_155#0, %parallel_loop3A_195 = %parallel_loop3A_155#1, %parallel_loop3A_196 = %parallel_loop3A_155#2, %parallel_loop3A_197 = %parallel_loop3A_155#3, %parallel_loop3A_198 = %parallel_loop3A_155#4, %parallel_loop3A_199 = %parallel_loop3A_155#5, %parallel_loop3A_200 = %parallel_loop3A_155#6, %parallel_loop3A_201 = %parallel_loop3A_155#7) -> (vector<16xf32>, vector<16xf32>, vector<16xf32>, vector<16xf32>, vector<16xf32>, vector<16xf32>, vector<16xf32>, vector<16xf32>)  : i32 {
        %parallel_loop3A_202 = arith.constant 1 : i32
        %parallel_loop3A_203 = arith.index_cast %parallel_loop3A_202 : i32 to index
        %parallel_loop3A_204 = arith.index_cast %parallel_loop3A_193 : i32 to index
        %parallel_loop3A_205 = arith.constant 0 : index
        %parallel_loop3A_206 = tpu.vector_load %arg4[%parallel_loop3A_203, %parallel_loop3A_204, %parallel_loop3A_205] {strides = array<i32>} : memref<2x200x128xf32, #tpu.memory_space<vmem>>, vector<1x1x16xf32>,
        %parallel_loop3A_207 = vector.shape_cast %parallel_loop3A_206 : vector<1x1x16xf32> to vector<16xf32>
        %parallel_loop3A_208 = arith.maximumf %parallel_loop3A_194, %parallel_loop3A_207 : vector<16xf32>
        %parallel_loop3A_209 = arith.constant 1 : i32
        %parallel_loop3A_210 = arith.index_cast %parallel_loop3A_209 : i32 to index
        %parallel_loop3A_211 = arith.index_cast %parallel_loop3A_193 : i32 to index
        %parallel_loop3A_212 = arith.constant 16 : index
        %parallel_loop3A_213 = tpu.vector_load %arg4[%parallel_loop3A_210, %parallel_loop3A_211, %parallel_loop3A_212] {strides = array<i32>} : memref<2x200x128xf32, #tpu.memory_space<vmem>>, vector<1x1x16xf32>,
        %parallel_loop3A_214 = vector.shape_cast %parallel_loop3A_213 : vector<1x1x16xf32> to vector<16xf32>
        %parallel_loop3A_215 = arith.maximumf %parallel_loop3A_195, %parallel_loop3A_214 : vector<16xf32>
        %parallel_loop3A_216 = arith.constant 1 : i32
        %parallel_loop3A_217 = arith.index_cast %parallel_loop3A_216 : i32 to index
        %parallel_loop3A_218 = arith.index_cast %parallel_loop3A_193 : i32 to index
        %parallel_loop3A_219 = arith.constant 32 : index
        %parallel_loop3A_220 = tpu.vector_load %arg4[%parallel_loop3A_217, %parallel_loop3A_218, %parallel_loop3A_219] {strides = array<i32>} : memref<2x200x128xf32, #tpu.memory_space<vmem>>, vector<1x1x16xf32>,
        %parallel_loop3A_221 = vector.shape_cast %parallel_loop3A_220 : vector<1x1x16xf32> to vector<16xf32>
        %parallel_loop3A_222 = arith.maximumf %parallel_loop3A_196, %parallel_loop3A_221 : vector<16xf32>
        %parallel_loop3A_223 = arith.constant 1 : i32
        %parallel_loop3A_224 = arith.index_cast %parallel_loop3A_223 : i32 to index
        %parallel_loop3A_225 = arith.index_cast %parallel_loop3A_193 : i32 to index
        %parallel_loop3A_226 = arith.constant 48 : index
        %parallel_loop3A_227 = tpu.vector_load %arg4[%parallel_loop3A_224, %parallel_loop3A_225, %parallel_loop3A_226] {strides = array<i32>} : memref<2x200x128xf32, #tpu.memory_space<vmem>>, vector<1x1x16xf32>,
        %parallel_loop3A_228 = vector.shape_cast %parallel_loop3A_227 : vector<1x1x16xf32> to vector<16xf32>
        %parallel_loop3A_229 = arith.maximumf %parallel_loop3A_197, %parallel_loop3A_228 : vector<16xf32>
        %parallel_loop3A_230 = arith.constant 1 : i32
        %parallel_loop3A_231 = arith.index_cast %parallel_loop3A_230 : i32 to index
        %parallel_loop3A_232 = arith.index_cast %parallel_loop3A_193 : i32 to index
        %parallel_loop3A_233 = arith.constant 64 : index
        %parallel_loop3A_234 = tpu.vector_load %arg4[%parallel_loop3A_231, %parallel_loop3A_232, %parallel_loop3A_233] {strides = array<i32>} : memref<2x200x128xf32, #tpu.memory_space<vmem>>, vector<1x1x16xf32>,
        %parallel_loop3A_235 = vector.shape_cast %parallel_loop3A_234 : vector<1x1x16xf32> to vector<16xf32>
        %parallel_loop3A_236 = arith.maximumf %parallel_loop3A_198, %parallel_loop3A_235 : vector<16xf32>
        %parallel_loop3A_237 = arith.constant 1 : i32
        %parallel_loop3A_238 = arith.index_cast %parallel_loop3A_237 : i32 to index
        %parallel_loop3A_239 = arith.index_cast %parallel_loop3A_193 : i32 to index
        %parallel_loop3A_240 = arith.constant 80 : index
        %parallel_loop3A_241 = tpu.vector_load %arg4[%parallel_loop3A_238, %parallel_loop3A_239, %parallel_loop3A_240] {strides = array<i32>} : memref<2x200x128xf32, #tpu.memory_space<vmem>>, vector<1x1x16xf32>,
        %parallel_loop3A_242 = vector.shape_cast %parallel_loop3A_241 : vector<1x1x16xf32> to vector<16xf32>
        %parallel_loop3A_243 = arith.maximumf %parallel_loop3A_199, %parallel_loop3A_242 : vector<16xf32>
        %parallel_loop3A_244 = arith.constant 1 : i32
        %parallel_loop3A_245 = arith.index_cast %parallel_loop3A_244 : i32 to index
        %parallel_loop3A_246 = arith.index_cast %parallel_loop3A_193 : i32 to index
        %parallel_loop3A_247 = arith.constant 96 : index
        %parallel_loop3A_248 = tpu.vector_load %arg4[%parallel_loop3A_245, %parallel_loop3A_246, %parallel_loop3A_247] {strides = array<i32>} : memref<2x200x128xf32, #tpu.memory_space<vmem>>, vector<1x1x16xf32>,
        %parallel_loop3A_249 = vector.shape_cast %parallel_loop3A_248 : vector<1x1x16xf32> to vector<16xf32>
        %parallel_loop3A_250 = arith.maximumf %parallel_loop3A_200, %parallel_loop3A_249 : vector<16xf32>
        %parallel_loop3A_251 = arith.constant 1 : i32
        %parallel_loop3A_252 = arith.index_cast %parallel_loop3A_251 : i32 to index
        %parallel_loop3A_253 = arith.index_cast %parallel_loop3A_193 : i32 to index
        %parallel_loop3A_254 = arith.constant 112 : index
        %parallel_loop3A_255 = tpu.vector_load %arg4[%parallel_loop3A_252, %parallel_loop3A_253, %parallel_loop3A_254] {strides = array<i32>} : memref<2x200x128xf32, #tpu.memory_space<vmem>>, vector<1x1x16xf32>,
        %parallel_loop3A_256 = vector.shape_cast %parallel_loop3A_255 : vector<1x1x16xf32> to vector<16xf32>
        %parallel_loop3A_257 = arith.maximumf %parallel_loop3A_201, %parallel_loop3A_256 : vector<16xf32>
        scf.yield %parallel_loop3A_208, %parallel_loop3A_215, %parallel_loop3A_222, %parallel_loop3A_229, %parallel_loop3A_236, %parallel_loop3A_243, %parallel_loop3A_250, %parallel_loop3A_257 : vector<16xf32>, vector<16xf32>, vector<16xf32>, vector<16xf32>, vector<16xf32>, vector<16xf32>, vector<16xf32>, vector<16xf32>
      } {sc.loop_unroll_factor = 4 : i64, sc.parallel_access}
      %add3A_186 = arith.constant 2 : i32
      %add3A_187 = arith.addi %add3A_164, %add3A_186 : i32
      %lt3A_188 = arith.constant 6 : i32
      %lt3A_189 = arith.cmpi slt, %add3A_187, %lt3A_188 : i32
      %convert_element_type3A_190 = arith.extui %lt3A_189 : i1 to i32
      %cond3A_191 = arith.constant 0 : i32
      %cond3A_192 = arith.cmpi ne, %convert_element_type3A_190, %cond3A_191 : i32
      scf.if %cond3A_192 {
        %mul3A_193 = arith.constant 200 : i32
        %mul3A_194 = arith.muli %add3A_187, %mul3A_193 : i32
        %add3A_195 = arith.addi %add3A_34, %mul3A_194 : i32
        %dma_start3A_196 = arith.constant 1 : i32
        %dma_start3A_197 = arith.constant 0 : i32
        %dma_start3A_198 = arith.constant 0 : i32
        %dma_start3A_199 = tpu.memref_slice %arg4[%dma_start3A_196, %dma_start3A_197, %dma_start3A_198] : memref<2x200x128xf32, #tpu.memory_space<vmem>> -> memref<1x200x128xf32, #tpu.memory_space<vmem>>
        %dma_start3A_200 = tpu.memref_squeeze %dma_start3A_199 : memref<1x200x128xf32, #tpu.memory_space<vmem>> -> memref<200x128xf32, #tpu.memory_space<vmem>>
        %dma_start3A_201 = arith.constant 0 : i32
        %dma_start3A_202 = tpu.memref_slice %arg2[%select_n3A, %add3A_195, %dma_start3A_201] : memref<16x10000x128xf32, #tpu.memory_space<hbm>> -> memref<1x200x128xf32, #tpu.memory_space<hbm>>
        %dma_start3A_203 = tpu.memref_squeeze %dma_start3A_202 : memref<1x200x128xf32, #tpu.memory_space<hbm>> -> memref<200x128xf32, #tpu.memory_space<hbm>>
        %dma_start3A_204 = arith.constant 0 : i32
        %dma_start3A_205 = arith.constant 0 : i32
        %dma_start3A_206 = tpu.memref_slice %arg4[%dma_start3A_196, %dma_start3A_204, %dma_start3A_205] : memref<2x200x128xf32, #tpu.memory_space<vmem>> -> memref<1x200x128xf32, #tpu.memory_space<vmem>>
        %dma_start3A_207 = tpu.memref_squeeze %dma_start3A_206 : memref<1x200x128xf32, #tpu.memory_space<vmem>> -> memref<200x128xf32, #tpu.memory_space<vmem>>
        %dma_start3A_208 = arith.constant 0 : i32
        %dma_start3A_209 = tpu.memref_slice %arg2[%select_n3A, %add3A_195, %dma_start3A_208] : memref<16x10000x128xf32, #tpu.memory_space<hbm>> -> memref<1x200x128xf32, #tpu.memory_space<hbm>>
        %dma_start3A_210 = tpu.memref_squeeze %dma_start3A_209 : memref<1x200x128xf32, #tpu.memory_space<hbm>> -> memref<200x128xf32, #tpu.memory_space<hbm>>
        tpu.enqueue_dma source(%dma_start3A_210 : memref<200x128xf32, #tpu.memory_space<hbm>>) target(%dma_start3A_207 : memref<200x128xf32, #tpu.memory_space<vmem>>) target_semaphore(%arg7 : memref<!tpu.dma_semaphore, #tpu.memory_space<semaphore_mem>>)
      } else {
      }
      scf.yield %parallel_loop3A_185#0, %parallel_loop3A_185#1, %parallel_loop3A_185#2, %parallel_loop3A_185#3, %parallel_loop3A_185#4, %parallel_loop3A_185#5, %parallel_loop3A_185#6, %parallel_loop3A_185#7 : vector<16xf32>, vector<16xf32>, vector<16xf32>, vector<16xf32>, vector<16xf32>, vector<16xf32>, vector<16xf32>, vector<16xf32>
    }
    %scan3A_87 = arith.constant 3 : i32
    %swap3A = arith.constant 0 : index
    %swap3A_88 = tpu.vector_load %arg5[%swap3A] {strides = array<i32>} : memref<128xf32, #tpu.memory_space<vmem>>, vector<16xf32>,
    %swap3A_89 = vector.shape_cast %swap3A_88 : vector<16xf32> to vector<16xf32>
    %swap3A_90 = vector.shape_cast %scan3A_86#0 : vector<16xf32> to vector<16xf32>
    tpu.vector_store %arg5[%swap3A], %swap3A_90 {strides = array<i32>} : memref<128xf32, #tpu.memory_space<vmem>>, vector<16xf32>,
    %swap3A_91 = arith.constant 16 : index
    %swap3A_92 = tpu.vector_load %arg5[%swap3A_91] {strides = array<i32>} : memref<128xf32, #tpu.memory_space<vmem>>, vector<16xf32>,
    %swap3A_93 = vector.shape_cast %swap3A_92 : vector<16xf32> to vector<16xf32>
    %swap3A_94 = vector.shape_cast %scan3A_86#1 : vector<16xf32> to vector<16xf32>
    tpu.vector_store %arg5[%swap3A_91], %swap3A_94 {strides = array<i32>} : memref<128xf32, #tpu.memory_space<vmem>>, vector<16xf32>,
    %swap3A_95 = arith.constant 32 : index
    %swap3A_96 = tpu.vector_load %arg5[%swap3A_95] {strides = array<i32>} : memref<128xf32, #tpu.memory_space<vmem>>, vector<16xf32>,
    %swap3A_97 = vector.shape_cast %swap3A_96 : vector<16xf32> to vector<16xf32>
    %swap3A_98 = vector.shape_cast %scan3A_86#2 : vector<16xf32> to vector<16xf32>
    tpu.vector_store %arg5[%swap3A_95], %swap3A_98 {strides = array<i32>} : memref<128xf32, #tpu.memory_space<vmem>>, vector<16xf32>,
    %swap3A_99 = arith.constant 48 : index
    %swap3A_100 = tpu.vector_load %arg5[%swap3A_99] {strides = array<i32>} : memref<128xf32, #tpu.memory_space<vmem>>, vector<16xf32>,
    %swap3A_101 = vector.shape_cast %swap3A_100 : vector<16xf32> to vector<16xf32>
    %swap3A_102 = vector.shape_cast %scan3A_86#3 : vector<16xf32> to vector<16xf32>
    tpu.vector_store %arg5[%swap3A_99], %swap3A_102 {strides = array<i32>} : memref<128xf32, #tpu.memory_space<vmem>>, vector<16xf32>,
    %swap3A_103 = arith.constant 64 : index
    %swap3A_104 = tpu.vector_load %arg5[%swap3A_103] {strides = array<i32>} : memref<128xf32, #tpu.memory_space<vmem>>, vector<16xf32>,
    %swap3A_105 = vector.shape_cast %swap3A_104 : vector<16xf32> to vector<16xf32>
    %swap3A_106 = vector.shape_cast %scan3A_86#4 : vector<16xf32> to vector<16xf32>
    tpu.vector_store %arg5[%swap3A_103], %swap3A_106 {strides = array<i32>} : memref<128xf32, #tpu.memory_space<vmem>>, vector<16xf32>,
    %swap3A_107 = arith.constant 80 : index
    %swap3A_108 = tpu.vector_load %arg5[%swap3A_107] {strides = array<i32>} : memref<128xf32, #tpu.memory_space<vmem>>, vector<16xf32>,
    %swap3A_109 = vector.shape_cast %swap3A_108 : vector<16xf32> to vector<16xf32>
    %swap3A_110 = vector.shape_cast %scan3A_86#5 : vector<16xf32> to vector<16xf32>
    tpu.vector_store %arg5[%swap3A_107], %swap3A_110 {strides = array<i32>} : memref<128xf32, #tpu.memory_space<vmem>>, vector<16xf32>,
    %swap3A_111 = arith.constant 96 : index
    %swap3A_112 = tpu.vector_load %arg5[%swap3A_111] {strides = array<i32>} : memref<128xf32, #tpu.memory_space<vmem>>, vector<16xf32>,
    %swap3A_113 = vector.shape_cast %swap3A_112 : vector<16xf32> to vector<16xf32>
    %swap3A_114 = vector.shape_cast %scan3A_86#6 : vector<16xf32> to vector<16xf32>
    tpu.vector_store %arg5[%swap3A_111], %swap3A_114 {strides = array<i32>} : memref<128xf32, #tpu.memory_space<vmem>>, vector<16xf32>,
    %swap3A_115 = arith.constant 112 : index
    %swap3A_116 = tpu.vector_load %arg5[%swap3A_115] {strides = array<i32>} : memref<128xf32, #tpu.memory_space<vmem>>, vector<16xf32>,
    %swap3A_117 = vector.shape_cast %swap3A_116 : vector<16xf32> to vector<16xf32>
    %swap3A_118 = vector.shape_cast %scan3A_86#7 : vector<16xf32> to vector<16xf32>
    tpu.vector_store %arg5[%swap3A_115], %swap3A_118 {strides = array<i32>} : memref<128xf32, #tpu.memory_space<vmem>>, vector<16xf32>,
    %mul3A_119 = arith.constant 16 : i32
    %mul3A_120 = arith.muli %select_n3A_30, %mul3A_119 : i32
    %add3A_121 = arith.addi %mul3A_120, %select_n3A : i32
    %mul3A_122 = arith.constant 128 : i32
    %mul3A_123 = arith.muli %add3A_121, %mul3A_122 : i32
    "tpu.region"() ({
      %run_scoped3A = tpu.sem_alloc : memref<!tpu.dma_semaphore, #tpu.memory_space<semaphore_mem>>
      %dma_start3A_124 = tpu.memref_slice %arg3[%mul3A_123] : memref<4096xf32, #tpu.memory_space<hbm>> -> memref<128xf32, #tpu.memory_space<hbm>>
      %dma_start3A_125 = tpu.memref_slice %arg3[%mul3A_123] : memref<4096xf32, #tpu.memory_space<hbm>> -> memref<128xf32, #tpu.memory_space<hbm>>
      tpu.enqueue_dma source(%arg5 : memref<128xf32, #tpu.memory_space<vmem>>) target(%dma_start3A_125 : memref<128xf32, #tpu.memory_space<hbm>>) target_semaphore(%run_scoped3A : memref<!tpu.dma_semaphore, #tpu.memory_space<semaphore_mem>>)
      %dma_wait3A = tpu.memref_slice %arg3[%mul3A_123] : memref<4096xf32, #tpu.memory_space<hbm>> -> memref<128xf32, #tpu.memory_space<hbm>>
      %dma_wait3A_126 = tpu.memref_slice %arg3[%mul3A_123] : memref<4096xf32, #tpu.memory_space<hbm>> -> memref<128xf32, #tpu.memory_space<hbm>>
      tpu.wait_dma2 semaphore(%run_scoped3A : memref<!tpu.dma_semaphore, #tpu.memory_space<semaphore_mem>>) src(%arg5 : memref<128xf32, #tpu.memory_space<vmem>>) dst(%dma_wait3A_126 : memref<128xf32, #tpu.memory_space<hbm>>)
      tpu.yield
    }) : () -> ()
    return
  }
}

module attributes {stable_mosaic.version = 14 : i64} {
  func.func @_tc_body(%arg0: i32, %arg1: memref<2x7600x128xf32, #tpu.memory_space<vmem>>, %arg2: memref<2x1x128xf32, #tpu.memory_space<vmem>>) attributes {dimension_semantics = [#tpu.dimension_semantics<arbitrary>], iteration_bounds = array<i64: 8>, scalar_prefetch = 0 : i64, scratch_operands = 0 : i64, tpu.core_type = #tpu.core_type<tc>, window_params = [{transform_indices = @transform_0, window_bounds = array<i64: 2, 7600, 128>}, {transform_indices = @transform_1, window_bounds = array<i64: 2, 1, 128>}]} {
    %get3A = arith.constant 0 : index
    %get3A_0 = arith.constant 0 : index
    %get3A_1 = arith.constant 0 : index
    %get3A_2 = vector.load %arg1[%get3A, %get3A_0, %get3A_1] : memref<2x7600x128xf32, #tpu.memory_space<vmem>>, vector<2x7600x128xf32>
    %reduce_max3A = arith.constant dense<0xFF800000> : vector<2x128xf32>
    %reduce_max3A_3 = vector.multi_reduction <maximumf>, %get3A_2, %reduce_max3A [1] : vector<2x7600x128xf32> to vector<2x128xf32>
    %broadcast_in_dim3A = vector.shape_cast %reduce_max3A_3 : vector<2x128xf32> to vector<2x1x128xf32>
    %swap3A = arith.constant 0 : index
    %swap3A_4 = arith.constant 0 : index
    %swap3A_5 = arith.constant 0 : index
    %swap3A_6 = vector.load %arg2[%swap3A, %swap3A_4, %swap3A_5] : memref<2x1x128xf32, #tpu.memory_space<vmem>>, vector<2x1x128xf32>
    tpu.vector_store %arg2[%swap3A, %swap3A_4, %swap3A_5], %broadcast_in_dim3A {strides = array<i32>} : memref<2x1x128xf32, #tpu.memory_space<vmem>>, vector<2x1x128xf32>,
    return
  }
  func.func @transform_0(%arg0: i32) -> (i32, i32, i32) {
    %c0_i32 = arith.constant 0 : i32
    %c0_i32_0 = arith.constant 0 : i32
    %c0_i32_1 = arith.constant 0 : i32
    return %arg0, %c0_i32, %c0_i32_0 : i32, i32, i32
  }
  func.func @transform_1(%arg0: i32) -> (i32, i32, i32) {
    %c0_i32 = arith.constant 0 : i32
    %c0_i32_0 = arith.constant 0 : i32
    %c0_i32_1 = arith.constant 0 : i32
    return %arg0, %c0_i32, %c0_i32_0 : i32, i32, i32
  }
}

</mosaic_0001>

<sc_bundles>
// kernel: kernel.4.cloned.1.call-start
scs
__scs_entry_jumppad:
0x0: {  	(pc) =	sbr.rel $0x88, $3  }
0x1: {  	(tag) =	ssettag $0x0;
	lr =	simm.s32 $0x1  }
0x2: {  	[smem:$0x3FA0] =	sst lr;
	_ =	strace $0xD0000000  }
0x3: {  	_ = 	snop  }
0x4: {  	_ = 	snop  }
0x5: {  	_ = 	snop  }
0x6: {  	_ = 	snop  }
0x7: {  	_ = 	snop  }
__scs_overlays_trampoline_lowered:
0x8: {  	[smem:$0x3FAF] =	sst s0  }
0x9: {  	[smem:$0x3FB0] =	sst s1  }
0xa: {  	[smem:$0x3FB1] =	sst s2  }
0xb: {  	[smem:$0x3FB2] =	sst s3  }
0xc: {  	[smem:$0x3FB3] =	sst s4  }
0xd: {  	[smem:$0x3FB4] =	sst s5  }
0xe: {  	[smem:$0x3FB5] =	sst s6  }
0xf: {  	[smem:$0x3FB6] =	sst s7  }
0x10: {  	[smem:$0x3FB7] =	sst s8  }
0x11: {  	[smem:$0x3FB8] =	sst s9;
	s0 =	simm.s32 @!p0 $0x0  }
0x12: {  	s1 =	sld [smem:$0x3F9E];
	s0 =	simm.s32 @p0 $0x1  }
0x13: {  	[smem:$0x3FB9] =	sst s0;
	s0 =	simm.s32 @!p1 $0x0  }
0x14: {  	s2 =	sld [smem:$0x3F9D];
	s0 =	simm.s32 @p1 $0x1  }
0x15: {  	[smem:$0x3FBA] =	sst s0;
	s0 =	simm.s32 @!p2 $0x0  }
0x16: {  	s3 =	sld [smem:$0x3FDB];
	s0 =	simm.s32 @p2 $0x1  }
0x17: {  	s4 =	simm.s32 $0x1BF5;
	[smem:$0x3FBC] =	sst s0  }
0x18: {  	s0 =	sld [smem:$0x3F9F];
	_ =	swait.ge [sflag:s4], $0x0  }
0x19: {  	s7 =	sld [smem:$0x3FA0]  }
0x1a: {  	s8 =	sadd.s32 $0xFFFFE003, lr  }
0x1b: {  	s9 =	sadd.s32 $0xFFFFFEF7, lr;
	s5 =	simm.s32 $0xFFFFFFFF;
	p2 =	slt.u32 s8, $0xFFFFF086  }
0x1c: {  	p1 =	slt.u32 s9, $0xF7A;
	s5 =	simm.s32 @!p2 $0x0  }
0x1d: {  	s5 =	simm.s32 @p1 $0x1;
	p0 =	seq.s32 s7, s2  }
0x1e: {  	s7 =	smul.u32 @!p0 $0xF7A, s2;
	p2 =	seq.s32 @!p0 s5, $0x0  }
0x1f: {  	s9 =	smul.u32 $0xF7A, s1;
	s8 =	simm.s32 @!p0 $0x1BF5;
	p2 =	por !p2, p0  }
0x20: {  	[sflag:s8] =	ssyncset.s32 @!p0 $0xFFFFF086;
	s6 =	sadd.s32 @!p0 s3, s7;
	s7 =	simm.s32 @!p0 $0x108  }
0x21: {  	s3 =	sadd.s32 s3, s9;
	s6 =	sadd.s32 @!p0 $0x88, s6;
	s7 =	simm.s32 @p2 $0x1082  }
0x22: {  	[simem:s7], [sflag:s8] =	dma.local @!p0 [hbm:s6], $0xF7A  }
0x23: {  	s9 =	sor.u32 $0xD0000000, s2;
	s6 =	simm.s32 $0x108;
	_ =	swait.ge @!p0 [sflag:s8], $0x0  }
0x24: {  	s3 =	sadd.s32 $0x88, s3;
	s6 =	simm.s32 @!p1 $0x1082;
	[sflag:s4] =	ssyncset.s32 $0xFFFFF086  }
0x25: {  	[simem:s6], [sflag:s4] =	dma.local [hbm:s3], $0xF7A  }
0x26: {  	[smem:$0x3FA0] =	sst s1;
	(tag) =	ssettag s2;
	_ =	strace s9  }
0x27: {  	s1 =	sld [smem:$0x3FB0]  }
0x28: {  	s2 =	sld [smem:$0x3FB1]  }
0x29: {  	s4 =	sld [smem:$0x3FB3]  }
0x2a: {  	p0 =	seq.s32 s5, $0x0;
	s5 =	sld [smem:$0x3FB4]  }
0x2b: {  	s6 =	sld [smem:$0x3FB5]  }
0x2c: {  	s7 =	sld [smem:$0x3FB6]  }
0x2d: {  	s3 =	simm.s32 $0x108;
	s8 =	sld [smem:$0x3FB7]  }
0x2e: {  	s3 =	simm.s32 @!p0 $0x1082;
	s9 =	sld [smem:$0x3FB8]  }
0x2f: {  	lr =	sadd.s32 s0, s3;
	s0 =	sld [smem:$0x3FAF]  }
0x30: {  	s3 =	sld [smem:$0x3FB2]  }
0x31: {  	[smem:$0x3FBB] =	sst s10  }
0x32: {  	s10 =	sld [smem:$0x3FB9];
	_ =	sdelay $0x3  }
0x33: {  	p0 =	seq.s32 s10, $0x1;
	s10 =	sld [smem:$0x3FBB];
	_ =	sdelay $0x3  }
0x34: {  	[smem:$0x3FBB] =	sst s10  }
0x35: {  	s10 =	sld [smem:$0x3FBA];
	_ =	sdelay $0x3  }
0x36: {  	p1 =	seq.s32 s10, $0x1;
	s10 =	sld [smem:$0x3FBB];
	_ =	sdelay $0x3  }
0x37: {  	[smem:$0x3FBB] =	sst s10  }
0x38: {  	s10 =	sld [smem:$0x3FBC]  }
0x39: {  	_ = 	snop;
	(pc) =	sbr.ind lr, $3  }
0x3a: {  	_ = 	snop  }
0x3b: {  	_ = 	snop  }
0x3c: {  	p2 =	seq.s32 s10, $0x1;
	s10 =	sld [smem:$0x3FBB]  }
0x3d: {  	_ =	shalt  }
0x3e: {  	_ =	shalt  }
0x3f: {  	_ =	shalt  }
0x40: {  	_ =	shalt  }
0x41: {  	_ =	shalt  }
0x42: {  	_ =	shalt  }
0x43: {  	_ =	shalt  }
0x44: {  	_ =	shalt  }
0x45: {  	_ =	shalt  }
0x46: {  	_ =	shalt  }
0x47: {  	_ =	shalt  }
0x48: {  	_ =	shalt  }
0x49: {  	_ =	shalt  }
0x4a: {  	_ =	shalt  }
0x4b: {  	_ =	shalt  }
0x4c: {  	_ =	shalt  }
0x4d: {  	_ =	shalt  }
0x4e: {  	_ =	shalt  }
0x4f: {  	_ =	shalt  }
0x50: {  	_ =	shalt  }
0x51: {  	_ =	shalt  }
0x52: {  	_ =	shalt  }
0x53: {  	_ =	shalt  }
0x54: {  	_ =	shalt  }
0x55: {  	_ =	shalt  }
0x56: {  	_ =	shalt  }
0x57: {  	_ =	shalt  }
0x58: {  	_ =	shalt  }
0x59: {  	_ =	shalt  }
0x5a: {  	_ =	shalt  }
0x5b: {  	_ =	shalt  }
0x5c: {  	_ =	shalt  }
0x5d: {  	_ =	shalt  }
0x5e: {  	_ =	shalt  }
0x5f: {  	_ =	shalt  }
0x60: {  	_ =	shalt  }
0x61: {  	_ =	shalt  }
0x62: {  	_ =	shalt  }
0x63: {  	_ =	shalt  }
0x64: {  	_ =	shalt  }
0x65: {  	_ =	shalt  }
0x66: {  	_ =	shalt  }
0x67: {  	_ =	shalt  }
0x68: {  	_ =	shalt  }
0x69: {  	_ =	shalt  }
0x6a: {  	_ =	shalt  }
0x6b: {  	_ =	shalt  }
0x6c: {  	_ =	shalt  }
0x6d: {  	_ =	shalt  }
0x6e: {  	_ =	shalt  }
0x6f: {  	_ =	shalt  }
0x70: {  	_ =	shalt  }
0x71: {  	_ =	shalt  }
0x72: {  	_ =	shalt  }
0x73: {  	_ =	shalt  }
0x74: {  	_ =	shalt  }
0x75: {  	_ =	shalt  }
0x76: {  	_ =	shalt  }
0x77: {  	_ =	shalt  }
0x78: {  	_ =	shalt  }
0x79: {  	_ =	shalt  }
0x7a: {  	_ =	shalt  }
0x7b: {  	_ =	shalt  }
0x7c: {  	_ =	shalt  }
0x7d: {  	_ =	shalt  }
0x7e: {  	_ =	shalt  }
0x7f: {  	_ =	shalt  }
0x80: {  	_ =	shalt  }
0x81: {  	_ =	shalt  }
0x82: {  	_ =	shalt  }
0x83: {  	_ =	shalt  }
0x84: {  	_ =	shalt  }
0x85: {  	_ =	shalt  }
0x86: {  	_ =	shalt  }
0x87: {  	_ =	shalt  }
.Lfunc_end0:
.L_simem_size_0:
called_computation_lowered:
.L_overlay_start_0:
0x88: {  	s2 =	sld [smem:$0x3FD9]  }
0x89: {  	s3 =	sld [smem:$0x3FFE];
	_ =	sdelay $0x1  }
0x8a: {  	s1 =	srdreg.scid  }
0x8b: {  	s0 =	sand.u32 $0x1, s1  }
0x8c: {  	s17 =	sshll.u32 s0, $0xA;
	s2 =	sadd.s32 s3, s2  }
0x8d: {  	s2 =	sadd.s32 s2, s17  }
0x8e: {  	[smem:$0x3FC7] =	sst s2  }
0x8f: {  	_ = 	snop  }
0x90: {  	s2 =	sld [smem:$0x3FC9];
	(tm) =	ssettm $0x1  }
0x91: {  	s18 =	sld [smem:$0x3FFB];
	_ =	sdelay $0x3  }
0x92: {  	_ =	strace s18  }
0x93: {  	s3 =	sld [smem:$0x3FFC];
	_ =	sdelay $0x3  }
0x94: {  	_ =	strace s3  }
0x95: {  	s3 =	sld [smem:$0x3FFD];
	_ =	sdelay $0x3  }
0x96: {  	_ =	strace s3  }
0x97: {  	_ =	strace $0x8FFFFFFF  }
0x98: {  	s19 =	sld [smem:$0x3FDB];
	_ =	sdelay $0x1  }
0x99: {  	s4 =	simm.s32 $_scs_section_size  }
0x9a: {  	s5 =	simm.s32 $_size__tile_overlayer_lowered;
	s6 =	simm.s32 $_tile_overlayer_lowered  }
0x9b: {  	s22 =	simm.s32 $0x1BFF;
	s21 =	sshll.u32 s6, $0x1;
	s3 =	sadd.s32 s4, s19  }
0x9c: {  	s7 =	simm.s32 $0x0;
	s20 =	sshll.u32 s5, $0x1;
	s5 =	sadd.s32 s21, s3  }
0x9d: {  	[timem:s7], [sflag:s22] =	dma.local [hbm:s5], s20  }
0x9e: {  	_ =	swait.ge [sflag:s22], s20  }
0x9f: {  	s4 =	ssub.s32 $0x0, s20;
	[sflag:s22] =	ssyncset.done $0x0  }
0xa0: {  	[sflag:s22] =	ssyncadd.s32 s4;
	_ =	sdelay $0x1  }
0xa1: {  	s23 =	simm.s32 $0x1B8B  }
0xa2: {  	_ =	swait.ge [sflag:s23], $0x1  }
0xa3: {  	[sflag:s23] =	ssyncset.done $0x0  }
0xa4: {  	s25 =	simm.s32 $0x1B8E;
	s24 =	sld [smem:$0x3FFE];
	[sflag:s23] =	ssyncadd.s32 $0xFFFFFFFF  }
0xa5: {  	s26 =	simm.s32 $execute0_lowered;
	[smem:$0x3FD2] =	sst s25  }
0xa6: {  	s5 =	sshll.u32 s26, $0x1;
	_ =	strace $0x80000046;
	[dreg:$0x1] =	wrdreg $0xFFFFFFFF  }
0xa7: {  	s28 =	simm.s32 $_size_execute0_lowered;
	s3 =	sadd.s32 s3, s5;
	[dreg:$0x0] =	wrdreg $0x0  }
0xa8: {  	s5 =	sshll.u32 s28, $0x1;
	[dreg:$0x2] =	wrdreg s3  }
0xa9: {  	[dreg:$0x3] =	wrdreg s5  }
0xaa: {  	[dreg:$0x4] =	wrdreg $0xC0  }
0xab: {  	_ =	task [dreg:s7], $0x5FFFF  }
0xac: {  	[dreg:$0x1] =	wrdreg $0xFFFFFFFF  }
0xad: {  	[dreg:$0x0] =	wrdreg $0x60  }
0xae: {  	[dreg:$0x2] =	wrdreg s2  }
0xaf: {  	[dreg:$0x3] =	wrdreg s24  }
0xb0: {  	[dreg:$0x4] =	wrdreg $0x9  }
0xb1: {  	_ =	task.clear_ibuf [dreg:s7], $0x5FFFF;
	_ =	strace $0x90000046  }
0xb2: {  	s29 =	simm.s32 $0x9;
	_ =	strace $0x80000048  }
0xb3: {  	_ =	swait.ge [sflag:s29], $0x1  }
0xb4: {  	[sflag:s29] =	ssyncadd.s32 $0xFFFFFFFF  }
0xb5: {  	_ =	strace $0x90000048  }
0xb6: {  	_ =	sfence  }
0xb7: {  	s30 =	sld [smem:$0x0];
	_ =	sdelay $0x2  }
0xb8: {  	s31 =	sshll.u32 s1, $0xD;
	s1 =	sshrl.u32 s1, $0x2  }
0xb9: {  	s3 =	sand.u32 $0x4000, s31;
	s1 =	sadd.s32 s1, s30  }
0xba: {  	s0 =	sor.u32 s3, s0;
	s1 =	sshll.u32 s1, $0x11  }
0xbb: {  	s0 =	sor.u32 s1, s0  }
0xbc: {  	s0 =	sadd.s32 $0x8F2B, s0  }
0xbd: {  	[sflag:s0] =	ssyncadd.remote.s32 $0x1  }
0xbe: {  	_ =	sfence.sel $0xFFFF  }
0xbf: {  	[dreg:$0x0] =	wrdreg $0xFFFFFFFF;
	(pc) =	sbr.abs _section_cstart, $3  }
0xc0: {  	[dreg:$0x1] =	wrdreg $0xFFFFFFFF  }
0xc1: {  	_ =	task.clear_ibuf [dreg:s7], $0x2FFFF;
	_ =	strace $0x9FFFFFFF  }
0xc2: {  	(tm) =	ssettm $0x7FFFFFFF  }
0xc3: {  	_ =	shalt  }
tec
execute0_lowered:
.L_overlay_start_1:
0x0: {  	(tag) =	ssettag $0x1  }
0x1: {  	s0 =	srdreg.scid  }
0x2: {  	s2 =	rddreg [dreg:$0x0];
	s4 =	simm.s32 $0x1;
	s6 =	sand.u32 $0x1, s0  }
0x3: {  	s8 =	rddreg [dreg:$0x1];
	s0 =	stileid.u32;
	s1 =	sshll.u32 s6, $0x4  }
0x4: {  	s3 =	simm.s32 $0x0;
	s7 =	sand.u32 $0x1, s0;
	s1 =	sor.u32 s0, s1  }
0x5: {  	s14 =	simm.s32 $0xC800;
	p1 =	seq.s32 s7, $0x1;
	p0 =	seq.s32 s1, $0x0  }
0x6: {  	s15 =	simm.s32 $0x3;
	s16 =	simm.s32 $0x0;
	p0 =	por !p0, !p1  }
0x7: {  	[smem:$0x7FF] =	sst s3;
	s6 =	ssub.s32 $0x2, s6;
	p0 =	por !p0, !p0  }
0x8: {  	s28 =	sshll.u32 s7, $0xB;
	s5 =	sshrl.u32 s1, $0x1;
	s4 =	simm.s32 @!p0 $0x0  }
0x9: {  	s10 =	smul.u32 $0x25800, s7;
	s30 =	sshrl.u32 s6, $0x1;
	s4 =	ssub.s32 s5, s4  }
0xa: {  	s12 =	smul.u32 $0x4B0, s7;
	s1 =	rddreg [dreg:$0x2];
	s9 =	sshll.u32 s4, $0x7  }
0xb: {  	_ =	strace $0x80000047;
	s4 =	smul.u32 $0x138800, s4;
	s9 =	sadd.s32 s28, s9  }
0xc: {  	s13 =	ssub.s32 s6, s30;
	s5 =	simm.s32 $0x1;
	s9 =	sshrl.u32 s9, $0x3  }
.Ltmp0:
0xd: {  	s29 =	sadd.s32 s4, s10;
	s11 =	sadd.s32 s9, s8;
	(pc) =	sbr.rel .LBB2_1-.Ltmp0, $4  }
0xe: {  	s10 =	sadd.s32 $0xED800, s29;
	s8 =	sadd.s32 $0xF3C00, s29;
	s9 =	sor.u32 $0x2008, s12  }
0xf: {  	s31 =	sshrl.u32 s10, $0x3;
	s8 =	sshrl.u32 s8, $0x3;
	s10 =	sadd.s32 $0x400, s11  }
0x10: {  	s11 =	smax.u32 s13, $0x1;
	s13 =	simm.s32 $0x2;
	s6 =	sadd.s32 s2, s31  }
0x11: {  	s7 =	sadd.s32 s2, s8;
	s8 =	sadd.s32 $0x1F40, s12;
	s12 =	simm.s32 $0x6400  }
.LBB2_8:
0x12: {  	[tilespmem:$0xC800] =	vst v6  }
0x13: {  	[tilespmem:$0xC810] =	vst v7  }
0x14: {  	[tilespmem:$0xC820] =	vst v4  }
0x15: {  	[tilespmem:$0xC830] =	vst v3  }
0x16: {  	[tilespmem:$0xC840] =	vst v2  }
0x17: {  	[tilespmem:$0xC850] =	vst v1;
	s16 =	sadd.s32 $0x1, s16  }
0x18: {  	[tilespmem:$0xC860] =	vst v0;
	p0 =	sne.s32 s16, s11  }
.Ltmp1:
0x19: {  	[tilespmem:$0xC870] =	vst v5;
	(pc) =	sbr.rel @!p0 .LBB2_9-.Ltmp1, $4  }
0x1a: {  	[hbm4b:s10+s3] =	stream.linear.scatter [tilespmem:s14], [sflag:$0x3], $0x80, $0x38;
	[tilespmem:$0xC880] =	vst v63  }
0x1b: {  	_ =	swait.ge [sflag:s15], $0x80  }
0x1c: {  	[sflag:s15] =	ssyncset.done $0x0  }
0x1d: {  	[sflag:s15] =	ssyncadd.s32 $0xFFFFFF80  }
.LBB2_1:
0x1e: {  	[tilespmem:s3], [sflag:$0x1] =	stream.linear.gather [hbm4b:s6+s3], $0x6400, $0x38;
	v5 =	vimm.f32 $-Inf;
	v0 =	vimm.f32 $-Inf;
	[tilespmem:$0xC880] =	vst v63  }
0x1f: {  	v1 =	vimm.f32 $-Inf;
	v2 =	vimm.f32 $-Inf;
	v3 =	vimm.f32 $-Inf;
	s17 =	simm.s32 $0x0  }
0x20: {  	v4 =	vimm.f32 $-Inf;
	v7 =	vimm.f32 $-Inf;
	v6 =	vimm.f32 $-Inf;
	[tilespmem:s12], [sflag:$0x2] =	stream.linear.gather [hbm4b:s7+s3], $0x6400, $0x38;
	[tilespmem:$0xC880] =	vst v63  }
.LBB2_2:
0x21: {  	_ =	swait.ge [sflag:s5], $0x6400  }
0x22: {  	[sflag:s5] =	ssyncset.done $0x0  }
0x23: {  	s20 =	simm.s32 $0x0;
	[sflag:s5] =	ssyncadd.s32 $0xFFFF9C00  }
0x24: {  	v12 =	vld [tilespmem:s20+$0x70]  }
0x25: {  	v13 =	vld [tilespmem:s20+$0x0]  }
0x26: {  	v14 =	vld [tilespmem:s20+$0x10]  }
0x27: {  	v10 =	vld [tilespmem:s20+$0x20]  }
0x28: {  	v8 =	vld [tilespmem:s20+$0x30]  }
0x29: {  	v9 =	vld [tilespmem:s20+$0x40]  }
0x2a: {  	v11 =	vld [tilespmem:s20+$0x50]  }
0x2b: {  	s18 =	simm.s32 $0x80;
	s19 =	simm.s32 $0x400;
	v5 =	vmax.f32 v5, v12;
	v6 =	vmax.f32 v6, v13;
	v7 =	vmax.f32 v7, v14;
	v12 =	vld [tilespmem:s20+$0x60]  }
.LBB2_3:
0x2c: {  	p0 =	sne.s32 s19, $0x18E00;
	v13 =	vld [tilespmem:s18+$0x70];
	v4 =	vmax.f32 v4, v10  }
0x2d: {  	v14 =	vld [tilespmem:s18+$0x0];
	v3 =	vmax.f32 v3, v8  }
0x2e: {  	v15 =	vld [tilespmem:s18+$0x10];
	v2 =	vmax.f32 v2, v9  }
.Ltmp2:
0x2f: {  	v10 =	vld [tilespmem:s18+$0x20];
	v1 =	vmax.f32 v1, v11;
	(pc) =	sbr.rel @p0 .LBB2_3-.Ltmp2, $4  }
0x30: {  	v8 =	vld [tilespmem:s18+$0x30];
	v0 =	vmax.f32 v0, v12  }
0x31: {  	v9 =	vld [tilespmem:s18+$0x40];
	v5 =	vmax.f32 v5, v13  }
0x32: {  	v6 =	vmax.f32 v6, v14;
	v11 =	vld [tilespmem:s18+$0x50]  }
0x33: {  	v7 =	vmax.f32 v7, v15;
	v12 =	vld [tilespmem:s18+$0x60];
	s18 =	sshra.s32 s19, $0x2;
	s19 =	sadd.s32 $0x200, s19  }
0x34: {  	v13 =	vld [tilespmem:s18+$0x70];
	p0 =	seq.s32 s17, $0x2  }
0x35: {  	v14 =	vld [tilespmem:s18+$0x0];
	s19 =	smul.u32 @!p0 $0x190, s17  }
0x36: {  	v15 =	vld [tilespmem:s18+$0x10]  }
0x37: {  	v16 =	vld [tilespmem:s18+$0x20];
	s19 =	sadd.s32 @!p0 s19, s8  }
0x38: {  	v17 =	vld [tilespmem:s18+$0x30];
	s19 =	sshll.u32 @!p0 s19, $0x7  }
0x39: {  	v18 =	vld [tilespmem:s18+$0x40];
	s19 =	sadd.s32 @!p0 s4, s19  }
0x3a: {  	v19 =	vld [tilespmem:s18+$0x50];
	s19 =	sshrl.u32 @!p0 s19, $0x3  }
0x3b: {  	v20 =	vld [tilespmem:s18+$0x60];
	s18 =	sadd.s32 @!p0 s2, s19;
	s19 =	simm.s32 @!p0 $0x0  }
0x3c: {  	[tilespmem:s19], [sflag:$0x1] =	stream.linear.gather @!p0 [hbm4b:s18+s19], $0x6400, $0x38;
	[tilespmem:$0xC880] =	vst v63  }
0x3d: {  	_ =	swait.ge [sflag:s13], $0x6400  }
0x3e: {  	[sflag:s13] =	ssyncset.done $0x0  }
0x3f: {  	s20 =	simm.s32 $0x0;
	[sflag:s13] =	ssyncadd.s32 $0xFFFF9C00  }
0x40: {  	v21 =	vld [tilespmem:s20+$0x6470]  }
0x41: {  	v22 =	vld [tilespmem:s20+$0x6400]  }
0x42: {  	v4 =	vmax.f32 v4, v10;
	v23 =	vld [tilespmem:s20+$0x6410]  }
0x43: {  	v3 =	vmax.f32 v3, v8;
	v2 =	vmax.f32 v2, v9;
	v11 =	vmax.f32 v1, v11;
	v8 =	vld [tilespmem:s20+$0x6420]  }
0x44: {  	v12 =	vmax.f32 v0, v12;
	v5 =	vmax.f32 v5, v13;
	v6 =	vmax.f32 v6, v14;
	v9 =	vld [tilespmem:s20+$0x6430]  }
0x45: {  	v7 =	vmax.f32 v7, v15;
	v0 =	vmax.f32 v4, v16;
	v1 =	vmax.f32 v3, v17;
	v10 =	vld [tilespmem:s20+$0x6440]  }
0x46: {  	v2 =	vmax.f32 v2, v18;
	v3 =	vmax.f32 v11, v19;
	v4 =	vmax.f32 v12, v20;
	v11 =	vld [tilespmem:s20+$0x6450]  }
0x47: {  	s18 =	simm.s32 $0x80;
	s19 =	simm.s32 $0x400;
	v12 =	vld [tilespmem:s20+$0x6460];
	v5 =	vmax.f32 v5, v21;
	v6 =	vmax.f32 v6, v22;
	v7 =	vmax.f32 v7, v23  }
.LBB2_5:
0x48: {  	p1 =	sne.s32 s19, $0x18E00;
	v13 =	vld [tilespmem:s18+$0x6470];
	v0 =	vmax.f32 v0, v8  }
0x49: {  	v14 =	vld [tilespmem:s18+$0x6400];
	v1 =	vmax.f32 v1, v9  }
0x4a: {  	v15 =	vld [tilespmem:s18+$0x6410];
	v2 =	vmax.f32 v2, v10  }
.Ltmp3:
0x4b: {  	v8 =	vld [tilespmem:s18+$0x6420];
	v3 =	vmax.f32 v3, v11;
	(pc) =	sbr.rel @p1 .LBB2_5-.Ltmp3, $4  }
0x4c: {  	v9 =	vld [tilespmem:s18+$0x6430];
	v4 =	vmax.f32 v4, v12  }
0x4d: {  	v10 =	vld [tilespmem:s18+$0x6440];
	v5 =	vmax.f32 v5, v13  }
0x4e: {  	v6 =	vmax.f32 v6, v14;
	v11 =	vld [tilespmem:s18+$0x6450]  }
0x4f: {  	v7 =	vmax.f32 v7, v15;
	v12 =	vld [tilespmem:s18+$0x6460];
	s18 =	sshra.s32 s19, $0x2;
	s19 =	sadd.s32 $0x200, s19  }
0x50: {  	v13 =	vld [tilespmem:s18+$0x6470]  }
0x51: {  	v14 =	vld [tilespmem:s18+$0x6400]  }
0x52: {  	v15 =	vld [tilespmem:s18+$0x6410]  }
0x53: {  	v16 =	vld [tilespmem:s18+$0x6420]  }
0x54: {  	v17 =	vld [tilespmem:s18+$0x6430]  }
0x55: {  	v18 =	vld [tilespmem:s18+$0x6440]  }
0x56: {  	v19 =	vld [tilespmem:s18+$0x6450]  }
0x57: {  	v20 =	vld [tilespmem:s18+$0x6460]  }
.Ltmp4:
0x58: {  	v0 =	vmax.f32 v0, v8;
	(pc) =	sbr.rel @p0 .LBB2_8-.Ltmp4, $4  }
0x59: {  	v1 =	vmax.f32 v1, v9;
	v2 =	vmax.f32 v2, v10;
	v8 =	vmax.f32 v3, v11  }
0x5a: {  	v63 =	vmax.f32 v4, v12;
	v5 =	vmax.f32 v5, v13;
	v6 =	vmax.f32 v6, v14  }
0x5b: {  	v7 =	vmax.f32 v7, v15;
	v4 =	vmax.f32 v0, v16;
	v3 =	vmax.f32 v1, v17  }
0x5c: {  	v2 =	vmax.f32 v2, v18;
	v1 =	vmax.f32 v8, v19;
	v0 =	vmax.f32 v63, v20  }
0x5d: {  	s18 =	smul.u32 $0x190, s17;
	_ =	sdelay $0x1  }
0x5e: {  	s18 =	sadd.s32 s18, s9  }
.Ltmp5:
0x5f: {  	s18 =	sshll.u32 s18, $0x7;
	(pc) =	sbr.rel .LBB2_2-.Ltmp5, $4  }
0x60: {  	s18 =	sadd.s32 s4, s18  }
0x61: {  	s18 =	sshrl.u32 s18, $0x3  }
0x62: {  	s17 =	sadd.s32 $0x1, s17;
	s18 =	sadd.s32 s2, s18  }
0x63: {  	[tilespmem:s12], [sflag:$0x2] =	stream.linear.gather [hbm4b:s18+s3], $0x6400, $0x38;
	[tilespmem:$0xC880] =	vst v63  }
.LBB2_9:
0x64: {  	_ =	sfence.sel $0x180000  }
0x65: {  	[bflag:$0x0] =	sbarrier.arrive $0xFFFF  }
0x66: {  	p0 =	sne.s32 s0, $0x0;
	_ =	strace $0x90000047  }
0x67: {  	s0 =	sadd.s32 @!p0 $0x100000, s1;
	[bflag:$0x2] =	sbarrier.arrive $0xFFFF  }
0x68: {  	[sflag:s0] =	ssyncadd.tile.s32 @!p0 $0x1;
	_ =	shalt  }
.Lfunc_end2:
_tile_overlayer_lowered:
.L_overlay_start_2:
0x69: {  	(tag) =	ssettag $0x2  }
0x6a: {  	s0 =	rddreg [dreg:$0x0];
	s2 =	stileid.u32  }
0x6b: {  	s1 =	rddreg [dreg:$0x1];
	p0 =	sne.s32 s2, $0x0  }
0x6c: {  	s3 =	rddreg [dreg:$0x2];
	[bflag:$0x3] =	sbarrier.arrive $0xFFFF;
	s2 =	simm.s32 @!p0 $0x1C03  }
0x6d: {  	[timem:s3], [sflag:s2] =	dma.local @!p0 [hbm:s0], s1  }
0x6e: {  	s0 =	simm.s32 @!p0 $0x3  }
0x6f: {  	_ =	swait.ge @!p0 [sflag:s0], s1  }
0x70: {  	s1 =	ssub.s32 @!p0 $0x0, s1;
	[sflag:s0] =	ssyncset.done @!p0 $0x0  }
0x71: {  	[sflag:s0] =	ssyncadd.s32 @!p0 s1  }
0x72: {  	[bflag:$0x3] =	sbarrier.arrive $0xFFFF  }
0x73: {  	_ =	shalt  }

</sc_bundles>
